<compile_context>
chip_gen: v7x
topology: tpu7x:2x2x1
jax: 0.10.2.dev20260603
libtpu: 0.0.44.dev20260713+nightly
codegen_flags: <defaults>
</compile_context>

<pallas_src>
import functools

import jax
import jax.numpy as jnp
from jax import lax
from jax.experimental import pallas as pl
from jax.experimental.pallas import tpu as pltpu
from jax.experimental.pallas import tpu_sc as plsc

jax.config.update("jax_enable_x64", True)

REF_RES = 128
PATCH = 4
TIME_DIV = 6
NUM_PATCHES = REF_RES // PATCH
PATCH_AREA = PATCH * PATCH
TOKEN_NUM = NUM_PATCHES * NUM_PATCHES
TOTAL_BINS = TIME_DIV * 2 * PATCH_AREA * TOKEN_NUM

NC = 2
NS = 16
L = 16
NW = NC * NS

_C2P = (NUM_PATCHES - 1) / (REF_RES - 1)

_MESH = plsc.VectorSubcoreMesh(core_axis_name="c", subcore_axis_name="s")


def _worker_id():
  return lax.axis_index("s") * NC + lax.axis_index("c")


_BLK = 128
_BLKF = 4 * _BLK
_A_PIECE = 96


def _max_body(ev_hbm, out_hbm, buf, stage):
  w = _worker_id().astype(jnp.int32)
  nblk = ev_hbm.shape[0] // _BLKF
  cb = (nblk + NW - 1) // NW
  base = w * jnp.int32(cb)
  nb = jnp.minimum(jnp.int32(cb), jnp.int32(nblk) - base)

  def piece_body(pi, acc):
    start = jnp.minimum(base + pi * jnp.int32(_A_PIECE),
                        base + nb - jnp.int32(_A_PIECE))
    pltpu.sync_copy(ev_hbm.at[pl.ds(start * jnp.int32(_BLKF),
                                    _A_PIECE * _BLKF)], buf)

    def b_body(b, acc):
      ax, ay = acc
      off = b * jnp.int32(_BLKF)
      for v in range(_BLK // L):
        ax = jnp.maximum(ax, buf[pl.ds(off + jnp.int32(_BLK + v * L), L)])
        ay = jnp.maximum(ay, buf[pl.ds(off + jnp.int32(2 * _BLK + v * L), L)])
      return (ax, ay)

    return lax.fori_loop(jnp.int32(0), jnp.int32(_A_PIECE), b_body, acc)

  npieces = (nb + jnp.int32(_A_PIECE) - 1) // jnp.int32(_A_PIECE)
  neg = jnp.full((L,), -1.0, jnp.float32)
  ax, ay = lax.fori_loop(jnp.int32(0), npieces, piece_body, (neg, neg))
  stage[0, :] = ax
  stage[1, :] = ay
  pltpu.sync_copy(stage, out_hbm.at[w])


@jax.jit
def _max_kernel(ev_flat):
  return pl.kernel(
      _max_body,
      out_type=jax.ShapeDtypeStruct((NW, 2, L), jnp.float32),
      mesh=_MESH,
      compiler_params=pltpu.CompilerParams(needs_layout_passes=False),
      scratch_types=[
          pltpu.VMEM((_A_PIECE * _BLKF,), jnp.float32),
          pltpu.VMEM((2, L), jnp.float32),
      ],
  )(ev_flat)


_B_PIECE = 4096
_ZSUB = 3072
_ZF = (TOTAL_BINS * 2) // NS


def _hist_body(ev_hbm, par_hbm, out_hbm, pbuf, pbuf2, idxp, idxp2,
               idxt, idxt2, wpb, wpb2, wtb, wtb2, pvm,
               tvm, tvm2, zbuf, hist, sem, sem2):
  c = lax.axis_index("c").astype(jnp.int32)
  s = lax.axis_index("s").astype(jnp.int32)
  w = s * jnp.int32(NC) + c
  lane = lax.iota(jnp.int32, L)
  zero16 = jnp.zeros((L,), jnp.int32)
  one16 = jnp.full((L,), 1, jnp.int32)

  nblk0 = ev_hbm.shape[0] // _BLKF
  pltpu.sync_copy(par_hbm, pvm)
  onef = jnp.ones((L,), jnp.float32)

  def bcast(k):
    return plsc.load_gather(pvm, [jnp.full((L,), k, jnp.int32)])

  scale_x = bcast(1)
  scale_y = bcast(2)
  pltpu.sync_copy(ev_hbm.at[pl.ds(jnp.int32(0), L)], tvm)
  pltpu.sync_copy(ev_hbm.at[pl.ds(jnp.int32((nblk0 - 1) * _BLKF + 112), L)],
                  tvm2)
  negf = jnp.full((L,), -1.0, jnp.float32)
  t0s = lax.reduce_max(jnp.where(lane == zero16, tvm[...], negf), axes=(0,))
  tNs = lax.reduce_max(jnp.where(lane == jnp.full((L,), L - 1, jnp.int32),
                                 tvm2[...], negf), axes=(0,))
  t0v = jnp.full((L,), t0s)
  tNv = jnp.full((L,), tNs)
  span = tNv - t0v
  invd = onef / (span + jnp.float32(1e-4))
  sdiv = jnp.float32(TIME_DIV) / (span + onef)

  zf32 = jnp.zeros((L,), jnp.float32)

  def zb(i, _):
    zbuf[pl.ds(i * jnp.int32(L), L)] = zf32
    return 0

  lax.fori_loop(jnp.int32(0), jnp.int32(_ZSUB // L), zb, 0)
  for rep in range(_ZF // _ZSUB):
    off = s * jnp.int32(_ZF) + jnp.int32(rep * _ZSUB)
    pltpu.sync_copy(zbuf, hist.at[pl.ds(off, _ZSUB)])
  plsc.subcore_barrier()

  nblk = ev_hbm.shape[0] // _BLKF
  cb = (nblk + NW - 1) // NW
  pbv = _B_PIECE // _BLK
  npmax = (cb + pbv - 1) // pbv
  npairs = (npmax + 1) // 2
  base_blk = w * jnp.int32(cb)
  nb = jnp.minimum(jnp.int32(cb), jnp.int32(nblk) - base_blk)

  c2p = jnp.float32(_C2P)
  sets = ((pbuf, idxp, idxt, wpb, wtb, sem),
          (pbuf2, idxp2, idxt2, wpb2, wtb2, sem2))

  def drain_set(S):
    _, idxp_, idxt_, wpb_, wtb_, sem_ = S
    for jr in range(_B_PIECE // 128):
      off = jnp.int32(jr * 128)
      jri = jnp.int32(jr)
      pltpu.make_async_copy(wpb_.at[pl.ds(off, 128)],
                            hist.at[idxp_.at[jri]], sem_).wait()
      pltpu.make_async_copy(wtb_.at[pl.ds(off, 128)],
                            hist.at[idxt_.at[jri]], sem_).wait()

  def do_piece(p, S, first):
    pbuf_, idxp_, idxt_, wpb_, wtb_, sem_ = S
    rel = p * jnp.int32(pbv)
    over = jnp.maximum(jnp.int32(0), rel - (nb - jnp.int32(pbv)))
    start = base_blk + rel - over
    g_lo = over * jnp.int32(8)
    pltpu.sync_copy(ev_hbm.at[pl.ds(start * jnp.int32(_BLKF),
                                    _B_PIECE * 4)], pbuf_)

    @pl.when(jnp.logical_not(first))
    def _():
      drain_set(S)

    def g_body(g, _):
      off = (g // jnp.int32(8)) * jnp.int32(_BLKF) \
            + (g % jnp.int32(8)) * jnp.int32(L)
      t = pbuf_[pl.ds(off, L)]
      x = pbuf_[pl.ds(off + jnp.int32(_BLK), L)]
      y = pbuf_[pl.ds(off + jnp.int32(2 * _BLK), L)]
      p_ = pbuf_[pl.ds(off + jnp.int32(3 * _BLK), L)]

      xs = jnp.minimum(jnp.maximum(x * scale_x, 0.0), 127.0)
      ys = jnp.minimum(jnp.maximum(y * scale_y, 0.0), 127.0)
      gx = jnp.minimum((xs * c2p).astype(jnp.int32), NUM_PATCHES - 1)
      gy = jnp.minimum((ys * c2p).astype(jnp.int32), NUM_PATCHES - 1)
      lx = jnp.minimum((xs % 4.0).astype(jnp.int32), PATCH - 1)
      ly = jnp.minimum((ys % 4.0).astype(jnp.int32), PATCH - 1)
      pol = jnp.minimum(jnp.maximum(p_.astype(jnp.int32), 0), 1)
      tp = jnp.minimum(((t - t0v) * sdiv).astype(jnp.int32),
                       jnp.int32(TIME_DIV - 1))

      sh = lambda v, k: v << jnp.int32(k)
      l = (sh(tp, 16) + sh(pol, 15) + sh(lx, 10) + sh(ly, 12)
           + gx + sh(gy, 5))
      wp = jnp.where(p_ != jnp.float32(2.0), jnp.ones((L,), jnp.float32),
                     jnp.zeros((L,), jnp.float32))
      wt = (t - t0v) * invd
      gvf = jnp.full((L,), jnp.where(g >= g_lo,
                                     jnp.float32(1.0), jnp.float32(0.0)))
      wp = wp * gvf
      wt = wt * gvf

      j = g * jnp.int32(L)
      row = g // jnp.int32(8)
      col = (g % jnp.int32(8)) * jnp.int32(L)
      idxp_[row, pl.ds(col, L)] = l
      idxt_[row, pl.ds(col, L)] = l + jnp.int32(PATCH_AREA * TOKEN_NUM)
      wpb_[pl.ds(j, L)] = wp
      wtb_[pl.ds(j, L)] = wt
      return 0

    lax.fori_loop(jnp.int32(0), jnp.int32(_B_PIECE // L), g_body, 0)
    for jr in range(_B_PIECE // 128):
      off = jnp.int32(jr * 128)
      jri = jnp.int32(jr)
      pltpu.async_copy(wpb_.at[pl.ds(off, 128)],
                       hist.at[idxp_.at[jri]], sem_, add=True)
      pltpu.async_copy(wtb_.at[pl.ds(off, 128)],
                       hist.at[idxt_.at[jri]], sem_, add=True)

  def pair_body(q, _):
    for b in range(2):
      do_piece(q * jnp.int32(2) + jnp.int32(b), sets[b], q == jnp.int32(0))
    return 0

  lax.fori_loop(jnp.int32(0), jnp.int32(npairs), pair_body, 0)
  if npmax % 2 == 1:
    do_piece(jnp.int32(npmax - 1), sets[0], jnp.bool_(False))
  for b in range(2):
    drain_set(sets[b])

  plsc.subcore_barrier()
  pltpu.sync_copy(hist.at[pl.ds(s * jnp.int32(_ZF), _ZF)],
                  out_hbm.at[c].at[pl.ds(s * jnp.int32(_ZF), _ZF)])


@jax.jit
def _hist_kernel(ev_flat, params):
  return pl.kernel(
      _hist_body,
      out_type=jax.ShapeDtypeStruct((NC, TOTAL_BINS * 2), jnp.float32),
      mesh=_MESH,
      compiler_params=pltpu.CompilerParams(needs_layout_passes=False),
      scratch_types=[
          pltpu.VMEM((_B_PIECE * 4,), jnp.float32),
          pltpu.VMEM((_B_PIECE * 4,), jnp.float32),
          pltpu.VMEM((_B_PIECE // 128, 128), jnp.int32),
          pltpu.VMEM((_B_PIECE // 128, 128), jnp.int32),
          pltpu.VMEM((_B_PIECE // 128, 128), jnp.int32),
          pltpu.VMEM((_B_PIECE // 128, 128), jnp.int32),
          pltpu.VMEM((_B_PIECE,), jnp.float32),
          pltpu.VMEM((_B_PIECE,), jnp.float32),
          pltpu.VMEM((_B_PIECE,), jnp.float32),
          pltpu.VMEM((_B_PIECE,), jnp.float32),
          pltpu.VMEM((L,), jnp.float32),
          pltpu.VMEM((L,), jnp.float32),
          pltpu.VMEM((L,), jnp.float32),
          pltpu.VMEM((_ZSUB,), jnp.float32),
          pltpu.VMEM_SHARED((TOTAL_BINS * 2,), jnp.float32),
          pltpu.SemaphoreType.DMA,
          pltpu.SemaphoreType.DMA,
      ],
  )(ev_flat, params)


def _combine_body(a_ref, o_ref):
  o_ref[...] = a_ref[0] + a_ref[1]


@jax.jit
def _combine_kernel(parts):
  return pl.pallas_call(
      _combine_body,
      out_shape=jax.ShapeDtypeStruct((3072, 128), jnp.float32),
  )(parts.reshape(2, 3072, 128))


def kernel(events):
  n = events.shape[0]
  assert n % _BLK == 0, "event count must be a multiple of 128"
  ev_flat = events.reshape(n // _BLK, _BLK, 4).transpose(0, 2, 1).reshape(-1)

  pm = _max_kernel(ev_flat)
  max_x = jnp.max(pm[:, 0, :]).astype(jnp.int64)
  max_y = jnp.max(pm[:, 1, :]).astype(jnp.int64)
  degenerate = (max_x == 0) | (max_y == 0)
  scale_x = jnp.where(degenerate, 1.0,
                      (REF_RES - 1) / jnp.maximum(1, max_x)).astype(jnp.float32)
  scale_y = jnp.where(degenerate, 1.0,
                      (REF_RES - 1) / jnp.maximum(1, max_y)).astype(jnp.float32)
  params = jnp.zeros((L,), jnp.float32)
  params = params.at[1].set(scale_x).at[2].set(scale_y)

  parts = _hist_kernel(ev_flat, params)
  out = _combine_kernel(parts)
  return out.reshape(1, TIME_DIV * 2 * 2 * PATCH_AREA,
                     NUM_PATCHES, NUM_PATCHES)

# --- scband reference (transcript-rebuilt; emitter-appended) ---
"""Pipeline reference for scband-event-tokenizer-69449621176912 (READ-ONLY COPY).

The authoritative reference and input builder live on the scoring server;
editing this copy changes nothing except your own understanding.
"""

import jax, jax.numpy as jnp
import numpy as np

jax.config.update("jax_enable_x64", True)

REF_RES = 128
EMBED_SPLIT = 12
PATCH = 4
TIME_DIV = EMBED_SPLIT // 2
NUM_PATCHES = REF_RES // PATCH
TOKEN_NUM = NUM_PATCHES ** 2
PATCH_AREA = PATCH ** 2
BINS = (TIME_DIV, 2, PATCH_AREA, TOKEN_NUM)
TOTAL_BINS = TIME_DIV * 2 * PATCH_AREA * TOKEN_NUM


def setup_inputs(seed: int = 0) -> dict:
    N = 2000000
    key = jax.random.key(seed)
    k1, k2, k3, k4 = jax.random.split(key, 4)
    # realistic event stream: sorted timestamps, pixel coords, polarity in {0,1}
    t = jnp.sort(jax.random.uniform(k1, (N,), dtype=jnp.float32) * 1.0e6)
    x = jnp.floor(jax.random.uniform(k2, (N,), dtype=jnp.float32) * 1280.0)
    y = jnp.floor(jax.random.uniform(k3, (N,), dtype=jnp.float32) * 720.0)
    p = jax.random.randint(k4, (N,), 0, 2).astype(jnp.float32)
    events = jnp.stack([t, x, y, p], axis=1)
    return {"events": events}


def _index_mapping(sample, bins):
    y = jnp.maximum(sample, 0)
    y = jnp.minimum(y, bins.reshape(-1, 1))
    idx_tail = jnp.cumprod(jnp.flip(bins[1:]))
    index = jnp.flip(jnp.concatenate([jnp.array([1], dtype=bins.dtype), idx_tail]))
    l = jnp.sum(index.reshape(-1, 1) * y, axis=0)
    return l, index


def _compute_repr(events, mask, first, last):
    max_x = jnp.where(mask, events[:, 1], -jnp.inf).max().astype(jnp.int64)
    max_y = jnp.where(mask, events[:, 2], -jnp.inf).max().astype(jnp.int64)
    degenerate = (max_x == 0) | (max_y == 0)
    scale_x = jnp.where(
        degenerate, 1.0, (REF_RES - 1) / jnp.maximum(1, max_x)
    ).astype(jnp.float32)
    scale_y = jnp.where(
        degenerate, 1.0, (REF_RES - 1) / jnp.maximum(1, max_y)
    ).astype(jnp.float32)
    xs = jnp.clip(events[:, 1] * scale_x, 0, REF_RES - 1)
    ys = jnp.clip(events[:, 2] * scale_y, 0, REF_RES - 1)
    coord_to_patch = (NUM_PATCHES - 1) / (REF_RES - 1)
    grid_x = jnp.clip((xs * coord_to_patch).astype(jnp.int64), 0, NUM_PATCHES - 1)
    grid_y = jnp.clip((ys * coord_to_patch).astype(jnp.int64), 0, NUM_PATCHES - 1)
    grid_pos = grid_x + grid_y * NUM_PATCHES
    local_x = jnp.clip((xs % PATCH).astype(jnp.int64), 0, PATCH - 1)
    local_y = jnp.clip((ys % PATCH).astype(jnp.int64), 0, PATCH - 1)
    patch_pos = local_x + local_y * PATCH
    td = events[:, 0].astype(jnp.float64)
    td0 = td[first]
    tdN = td[last]
    time_pos = jnp.floor(TIME_DIV * (td - td0) / (tdN - td0 + 1.0)).astype(jnp.int64)
    polarity = jnp.clip(events[:, 3].astype(jnp.int64), 0, 1)
    bins = jnp.asarray(BINS, dtype=jnp.int64)
    repr_4d = jnp.stack([time_pos, polarity, patch_pos, grid_pos], axis=0)
    l, index = _index_mapping(repr_4d, bins)
    return l


def reference(events):
    eps = 1e-4
    mask = jnp.isfinite(events).all(axis=1)
    n = events.shape[0]
    first = jnp.argmax(mask)
    last = n - 1 - jnp.argmax(mask[::-1])
    l = _compute_repr(events, mask, first, last)
    l = jnp.where(mask, l, 0)
    weight_p = jnp.where(mask, (events[:, 3] != 2).astype(jnp.float32), 0.0)
    t0 = events[first, 0]
    tN = events[last, 0]
    weight_t = jnp.where(mask, (events[:, 0] - t0) / (tN - t0 + eps), 0.0)
    hist_p = jnp.bincount(l, weights=weight_p, length=TOTAL_BINS).reshape(BINS)
    hist_t = jnp.bincount(l, weights=weight_t, length=TOTAL_BINS).reshape(BINS)
    tokens = jnp.stack([hist_p, hist_t], axis=2)
    return tokens.reshape(1, -1, NUM_PATCHES, NUM_PATCHES)

if __name__ == "__main__":
    import jax
    _d = setup_inputs()
    print(jax.jit(kernel)(*tuple(_d.values())))

</pallas_src>

<mosaic_0001>
#map = affine_map<(d0, d1) -> (0)>
#map1 = affine_map<(d0, d1) -> (0, 0, 0)>
module attributes {stable_mosaic.version = 14 : i64} {
  func.func @_max_body(%arg0: i32, %arg1: i32, %arg2: memref<8000000xf32, #tpu.memory_space<hbm>>, %arg3: memref<32x2x16xf32, #tpu.memory_space<hbm>>, %arg4: memref<49152xf32, #tpu.memory_space<vmem>>, %arg5: memref<2x16xf32, #tpu.memory_space<vmem>>) attributes {dimension_semantics = [#tpu.dimension_semantics<core_parallel>, #tpu.dimension_semantics<subcore_parallel>], iteration_bounds = array<i64: 2, 16>, scalar_prefetch = 0 : i64, scratch_operands = 2 : i64, tpu.core_type = #tpu.core_type<sc_vector_subcore>, window_params = [{transform_indices = #map}, {transform_indices = #map1}]} {
    %mul3A = arith.constant 2 : i32
    %mul3A_0 = arith.muli %arg1, %mul3A : i32
    %add3A = arith.addi %mul3A_0, %arg0 : i32
    %mul3A_1 = arith.constant 489 : i32
    %mul3A_2 = arith.muli %add3A, %mul3A_1 : i32
    %sub3A = arith.constant 15625 : i32
    %sub3A_3 = arith.subi %sub3A, %mul3A_2 : i32
    %min3A = arith.constant 489 : i32
    %min3A_4 = arith.minsi %min3A, %sub3A_3 : i32
    %add3A_5 = arith.constant 96 : i32
    %add3A_6 = arith.addi %min3A_4, %add3A_5 : i32
    %sub3A_7 = arith.constant 1 : i32
    %sub3A_8 = arith.subi %add3A_6, %sub3A_7 : i32
    %jit3A = arith.constant 96 : i32
    %div3A = arith.divsi %sub3A_8, %jit3A : i32
    %sign3A = arith.constant 0 : i32
    %sign3A_9 = arith.cmpi sgt, %sub3A_8, %sign3A : i32
    %sign3A_10 = arith.extui %sign3A_9 : i1 to i32
    %sign3A_11 = arith.constant 0 : i32
    %sign3A_12 = arith.cmpi slt, %sub3A_8, %sign3A_11 : i32
    %sign3A_13 = arith.extui %sign3A_12 : i1 to i32
    %sign3A_14 = arith.subi %sign3A_10, %sign3A_13 : i32
    %sign3A_15 = arith.constant 0 : i32
    %sign3A_16 = arith.cmpi sgt, %jit3A, %sign3A_15 : i32
    %sign3A_17 = arith.extui %sign3A_16 : i1 to i32
    %sign3A_18 = arith.constant 0 : i32
    %sign3A_19 = arith.cmpi slt, %jit3A, %sign3A_18 : i32
    %sign3A_20 = arith.extui %sign3A_19 : i1 to i32
    %sign3A_21 = arith.subi %sign3A_17, %sign3A_20 : i32
    %ne3A = arith.cmpi ne, %sign3A_14, %sign3A_21 : i32
    %rem3A = arith.remsi %sub3A_8, %jit3A : i32
    %ne3A_22 = arith.constant 0 : i32
    %ne3A_23 = arith.cmpi ne, %rem3A, %ne3A_22 : i32
    %and3A = arith.andi %ne3A, %ne3A_23 : i1
    %sub3A_24 = arith.constant 1 : i32
    %sub3A_25 = arith.subi %div3A, %sub3A_24 : i32
    %select_n3A = arith.select %and3A, %sub3A_25, %div3A : i32
    %broadcast_in_dim3A = arith.constant -1.000000e+00 : f32
    %broadcast_in_dim3A_26 = vector.broadcast %broadcast_in_dim3A : f32 to vector<16xf32>
    %while3A = arith.constant 0 : i32
    %while3A_27 = arith.subi %select_n3A, %while3A : i32
    %while3A_28 = arith.addi %while3A, %while3A_27 : i32
    %while3A_29 = arith.constant 1 : i32
    %while3A_30 = arith.divsi %while3A_27, %while3A_29 : i32
    %while3A_31 = arith.muli %while3A_30, %while3A_29 : i32
    %while3A_32 = arith.addi %while3A, %while3A_31 : i32
    %while3A_33 = arith.constant 1 : i32
    %while3A_34:2 = scf.for %while3A_44 = %while3A to %while3A_32 step %while3A_33 iter_args(%while3A_45 = %broadcast_in_dim3A_26, %while3A_46 = %broadcast_in_dim3A_26) -> (vector<16xf32>, vector<16xf32>)  : i32 {
      %mul3A_47 = arith.constant 96 : i32
      %mul3A_48 = arith.muli %while3A_44, %mul3A_47 : i32
      %add3A_49 = arith.addi %mul3A_2, %mul3A_48 : i32
      %add3A_50 = arith.addi %mul3A_2, %min3A_4 : i32
      %sub3A_51 = arith.constant 96 : i32
      %sub3A_52 = arith.subi %add3A_50, %sub3A_51 : i32
      %min3A_53 = arith.minsi %add3A_49, %sub3A_52 : i32
      %mul3A_54 = arith.constant 512 : i32
      %mul3A_55 = arith.muli %min3A_53, %mul3A_54 : i32
      "tpu.region"() ({
        %run_scoped3A = tpu.sem_alloc : memref<!tpu.dma_semaphore, #tpu.memory_space<semaphore_mem>>
        %dma_start3A = tpu.memref_slice %arg2[%mul3A_55] : memref<8000000xf32, #tpu.memory_space<hbm>> -> memref<49152xf32, #tpu.memory_space<hbm>>
        %dma_start3A_68 = tpu.memref_slice %arg2[%mul3A_55] : memref<8000000xf32, #tpu.memory_space<hbm>> -> memref<49152xf32, #tpu.memory_space<hbm>>
        tpu.enqueue_dma source(%dma_start3A_68 : memref<49152xf32, #tpu.memory_space<hbm>>) target(%arg4 : memref<49152xf32, #tpu.memory_space<vmem>>) target_semaphore(%run_scoped3A : memref<!tpu.dma_semaphore, #tpu.memory_space<semaphore_mem>>)
        %dma_wait3A = tpu.memref_slice %arg2[%mul3A_55] : memref<8000000xf32, #tpu.memory_space<hbm>> -> memref<49152xf32, #tpu.memory_space<hbm>>
        %dma_wait3A_69 = tpu.memref_slice %arg2[%mul3A_55] : memref<8000000xf32, #tpu.memory_space<hbm>> -> memref<49152xf32, #tpu.memory_space<hbm>>
        tpu.wait_dma2 semaphore(%run_scoped3A : memref<!tpu.dma_semaphore, #tpu.memory_space<semaphore_mem>>) src(%dma_wait3A_69 : memref<49152xf32, #tpu.memory_space<hbm>>) dst(%arg4 : memref<49152xf32, #tpu.memory_space<vmem>>)
        tpu.yield
      }) : () -> ()
      %while3A_56 = arith.constant 0 : i32
      %while3A_57 = arith.constant 96 : i32
      %while3A_58 = arith.subi %while3A_57, %while3A_56 : i32
      %while3A_59 = arith.addi %while3A_56, %while3A_58 : i32
      %while3A_60 = arith.constant 1 : i32
      %while3A_61 = arith.divsi %while3A_58, %while3A_60 : i32
      %while3A_62 = arith.muli %while3A_61, %while3A_60 : i32
      %while3A_63 = arith.addi %while3A_56, %while3A_62 : i32
      %while3A_64 = arith.constant 1 : i32
      %while3A_65:2 = scf.for %while3A_68 = %while3A_56 to %while3A_63 step %while3A_64 iter_args(%while3A_69 = %while3A_45, %while3A_70 = %while3A_46) -> (vector<16xf32>, vector<16xf32>)  : i32 {
        %mul3A_71 = arith.constant 512 : i32
        %mul3A_72 = arith.muli %while3A_68, %mul3A_71 : i32
        %add3A_73 = arith.constant 128 : i32
        %add3A_74 = arith.addi %mul3A_72, %add3A_73 : i32
        %get3A = arith.index_cast %add3A_74 : i32 to index
        %get3A_75 = tpu.vector_load %arg4[%get3A] {strides = array<i32>} : memref<49152xf32, #tpu.memory_space<vmem>>, vector<16xf32>,
        %max3A = arith.maximumf %while3A_69, %get3A_75 : vector<16xf32>
        %add3A_76 = arith.constant 256 : i32
        %add3A_77 = arith.addi %mul3A_72, %add3A_76 : i32
        %get3A_78 = arith.index_cast %add3A_77 : i32 to index
        %get3A_79 = tpu.vector_load %arg4[%get3A_78] {strides = array<i32>} : memref<49152xf32, #tpu.memory_space<vmem>>, vector<16xf32>,
        %max3A_80 = arith.maximumf %while3A_70, %get3A_79 : vector<16xf32>
        %add3A_81 = arith.constant 144 : i32
        %add3A_82 = arith.addi %mul3A_72, %add3A_81 : i32
        %get3A_83 = arith.index_cast %add3A_82 : i32 to index
        %get3A_84 = tpu.vector_load %arg4[%get3A_83] {strides = array<i32>} : memref<49152xf32, #tpu.memory_space<vmem>>, vector<16xf32>,
        %max3A_85 = arith.maximumf %max3A, %get3A_84 : vector<16xf32>
        %add3A_86 = arith.constant 272 : i32
        %add3A_87 = arith.addi %mul3A_72, %add3A_86 : i32
        %get3A_88 = arith.index_cast %add3A_87 : i32 to index
        %get3A_89 = tpu.vector_load %arg4[%get3A_88] {strides = array<i32>} : memref<49152xf32, #tpu.memory_space<vmem>>, vector<16xf32>,
        %max3A_90 = arith.maximumf %max3A_80, %get3A_89 : vector<16xf32>
        %add3A_91 = arith.constant 160 : i32
        %add3A_92 = arith.addi %mul3A_72, %add3A_91 : i32
        %get3A_93 = arith.index_cast %add3A_92 : i32 to index
        %get3A_94 = tpu.vector_load %arg4[%get3A_93] {strides = array<i32>} : memref<49152xf32, #tpu.memory_space<vmem>>, vector<16xf32>,
        %max3A_95 = arith.maximumf %max3A_85, %get3A_94 : vector<16xf32>
        %add3A_96 = arith.constant 288 : i32
        %add3A_97 = arith.addi %mul3A_72, %add3A_96 : i32
        %get3A_98 = arith.index_cast %add3A_97 : i32 to index
        %get3A_99 = tpu.vector_load %arg4[%get3A_98] {strides = array<i32>} : memref<49152xf32, #tpu.memory_space<vmem>>, vector<16xf32>,
        %max3A_100 = arith.maximumf %max3A_90, %get3A_99 : vector<16xf32>
        %add3A_101 = arith.constant 176 : i32
        %add3A_102 = arith.addi %mul3A_72, %add3A_101 : i32
        %get3A_103 = arith.index_cast %add3A_102 : i32 to index
        %get3A_104 = tpu.vector_load %arg4[%get3A_103] {strides = array<i32>} : memref<49152xf32, #tpu.memory_space<vmem>>, vector<16xf32>,
        %max3A_105 = arith.maximumf %max3A_95, %get3A_104 : vector<16xf32>
        %add3A_106 = arith.constant 304 : i32
        %add3A_107 = arith.addi %mul3A_72, %add3A_106 : i32
        %get3A_108 = arith.index_cast %add3A_107 : i32 to index
        %get3A_109 = tpu.vector_load %arg4[%get3A_108] {strides = array<i32>} : memref<49152xf32, #tpu.memory_space<vmem>>, vector<16xf32>,
        %max3A_110 = arith.maximumf %max3A_100, %get3A_109 : vector<16xf32>
        %add3A_111 = arith.constant 192 : i32
        %add3A_112 = arith.addi %mul3A_72, %add3A_111 : i32
        %get3A_113 = arith.index_cast %add3A_112 : i32 to index
        %get3A_114 = tpu.vector_load %arg4[%get3A_113] {strides = array<i32>} : memref<49152xf32, #tpu.memory_space<vmem>>, vector<16xf32>,
        %max3A_115 = arith.maximumf %max3A_105, %get3A_114 : vector<16xf32>
        %add3A_116 = arith.constant 320 : i32
        %add3A_117 = arith.addi %mul3A_72, %add3A_116 : i32
        %get3A_118 = arith.index_cast %add3A_117 : i32 to index
        %get3A_119 = tpu.vector_load %arg4[%get3A_118] {strides = array<i32>} : memref<49152xf32, #tpu.memory_space<vmem>>, vector<16xf32>,
        %max3A_120 = arith.maximumf %max3A_110, %get3A_119 : vector<16xf32>
        %add3A_121 = arith.constant 208 : i32
        %add3A_122 = arith.addi %mul3A_72, %add3A_121 : i32
        %get3A_123 = arith.index_cast %add3A_122 : i32 to index
        %get3A_124 = tpu.vector_load %arg4[%get3A_123] {strides = array<i32>} : memref<49152xf32, #tpu.memory_space<vmem>>, vector<16xf32>,
        %max3A_125 = arith.maximumf %max3A_115, %get3A_124 : vector<16xf32>
        %add3A_126 = arith.constant 336 : i32
        %add3A_127 = arith.addi %mul3A_72, %add3A_126 : i32
        %get3A_128 = arith.index_cast %add3A_127 : i32 to index
        %get3A_129 = tpu.vector_load %arg4[%get3A_128] {strides = array<i32>} : memref<49152xf32, #tpu.memory_space<vmem>>, vector<16xf32>,
        %max3A_130 = arith.maximumf %max3A_120, %get3A_129 : vector<16xf32>
        %add3A_131 = arith.constant 224 : i32
        %add3A_132 = arith.addi %mul3A_72, %add3A_131 : i32
        %get3A_133 = arith.index_cast %add3A_132 : i32 to index
        %get3A_134 = tpu.vector_load %arg4[%get3A_133] {strides = array<i32>} : memref<49152xf32, #tpu.memory_space<vmem>>, vector<16xf32>,
        %max3A_135 = arith.maximumf %max3A_125, %get3A_134 : vector<16xf32>
        %add3A_136 = arith.constant 352 : i32
        %add3A_137 = arith.addi %mul3A_72, %add3A_136 : i32
        %get3A_138 = arith.index_cast %add3A_137 : i32 to index
        %get3A_139 = tpu.vector_load %arg4[%get3A_138] {strides = array<i32>} : memref<49152xf32, #tpu.memory_space<vmem>>, vector<16xf32>,
        %max3A_140 = arith.maximumf %max3A_130, %get3A_139 : vector<16xf32>
        %add3A_141 = arith.constant 240 : i32
        %add3A_142 = arith.addi %mul3A_72, %add3A_141 : i32
        %get3A_143 = arith.index_cast %add3A_142 : i32 to index
        %get3A_144 = tpu.vector_load %arg4[%get3A_143] {strides = array<i32>} : memref<49152xf32, #tpu.memory_space<vmem>>, vector<16xf32>,
        %max3A_145 = arith.maximumf %max3A_135, %get3A_144 : vector<16xf32>
        %add3A_146 = arith.constant 368 : i32
        %add3A_147 = arith.addi %mul3A_72, %add3A_146 : i32
        %get3A_148 = arith.index_cast %add3A_147 : i32 to index
        %get3A_149 = tpu.vector_load %arg4[%get3A_148] {strides = array<i32>} : memref<49152xf32, #tpu.memory_space<vmem>>, vector<16xf32>,
        %max3A_150 = arith.maximumf %max3A_140, %get3A_149 : vector<16xf32>
        scf.yield %max3A_145, %max3A_150 : vector<16xf32>, vector<16xf32>
      }
      %while3A_66 = arith.constant 1 : i32
      %while3A_67:2 = scf.for %while3A_68 = %while3A_63 to %while3A_59 step %while3A_66 iter_args(%while3A_69 = %while3A_65#0, %while3A_70 = %while3A_65#1) -> (vector<16xf32>, vector<16xf32>)  : i32 {
        %mul3A_71 = arith.constant 512 : i32
        %mul3A_72 = arith.muli %while3A_68, %mul3A_71 : i32
        %add3A_73 = arith.constant 128 : i32
        %add3A_74 = arith.addi %mul3A_72, %add3A_73 : i32
        %get3A = arith.index_cast %add3A_74 : i32 to index
        %get3A_75 = tpu.vector_load %arg4[%get3A] {strides = array<i32>} : memref<49152xf32, #tpu.memory_space<vmem>>, vector<16xf32>,
        %max3A = arith.maximumf %while3A_69, %get3A_75 : vector<16xf32>
        %add3A_76 = arith.constant 256 : i32
        %add3A_77 = arith.addi %mul3A_72, %add3A_76 : i32
        %get3A_78 = arith.index_cast %add3A_77 : i32 to index
        %get3A_79 = tpu.vector_load %arg4[%get3A_78] {strides = array<i32>} : memref<49152xf32, #tpu.memory_space<vmem>>, vector<16xf32>,
        %max3A_80 = arith.maximumf %while3A_70, %get3A_79 : vector<16xf32>
        %add3A_81 = arith.constant 144 : i32
        %add3A_82 = arith.addi %mul3A_72, %add3A_81 : i32
        %get3A_83 = arith.index_cast %add3A_82 : i32 to index
        %get3A_84 = tpu.vector_load %arg4[%get3A_83] {strides = array<i32>} : memref<49152xf32, #tpu.memory_space<vmem>>, vector<16xf32>,
        %max3A_85 = arith.maximumf %max3A, %get3A_84 : vector<16xf32>
        %add3A_86 = arith.constant 272 : i32
        %add3A_87 = arith.addi %mul3A_72, %add3A_86 : i32
        %get3A_88 = arith.index_cast %add3A_87 : i32 to index
        %get3A_89 = tpu.vector_load %arg4[%get3A_88] {strides = array<i32>} : memref<49152xf32, #tpu.memory_space<vmem>>, vector<16xf32>,
        %max3A_90 = arith.maximumf %max3A_80, %get3A_89 : vector<16xf32>
        %add3A_91 = arith.constant 160 : i32
        %add3A_92 = arith.addi %mul3A_72, %add3A_91 : i32
        %get3A_93 = arith.index_cast %add3A_92 : i32 to index
        %get3A_94 = tpu.vector_load %arg4[%get3A_93] {strides = array<i32>} : memref<49152xf32, #tpu.memory_space<vmem>>, vector<16xf32>,
        %max3A_95 = arith.maximumf %max3A_85, %get3A_94 : vector<16xf32>
        %add3A_96 = arith.constant 288 : i32
        %add3A_97 = arith.addi %mul3A_72, %add3A_96 : i32
        %get3A_98 = arith.index_cast %add3A_97 : i32 to index
        %get3A_99 = tpu.vector_load %arg4[%get3A_98] {strides = array<i32>} : memref<49152xf32, #tpu.memory_space<vmem>>, vector<16xf32>,
        %max3A_100 = arith.maximumf %max3A_90, %get3A_99 : vector<16xf32>
        %add3A_101 = arith.constant 176 : i32
        %add3A_102 = arith.addi %mul3A_72, %add3A_101 : i32
        %get3A_103 = arith.index_cast %add3A_102 : i32 to index
        %get3A_104 = tpu.vector_load %arg4[%get3A_103] {strides = array<i32>} : memref<49152xf32, #tpu.memory_space<vmem>>, vector<16xf32>,
        %max3A_105 = arith.maximumf %max3A_95, %get3A_104 : vector<16xf32>
        %add3A_106 = arith.constant 304 : i32
        %add3A_107 = arith.addi %mul3A_72, %add3A_106 : i32
        %get3A_108 = arith.index_cast %add3A_107 : i32 to index
        %get3A_109 = tpu.vector_load %arg4[%get3A_108] {strides = array<i32>} : memref<49152xf32, #tpu.memory_space<vmem>>, vector<16xf32>,
        %max3A_110 = arith.maximumf %max3A_100, %get3A_109 : vector<16xf32>
        %add3A_111 = arith.constant 192 : i32
        %add3A_112 = arith.addi %mul3A_72, %add3A_111 : i32
        %get3A_113 = arith.index_cast %add3A_112 : i32 to index
        %get3A_114 = tpu.vector_load %arg4[%get3A_113] {strides = array<i32>} : memref<49152xf32, #tpu.memory_space<vmem>>, vector<16xf32>,
        %max3A_115 = arith.maximumf %max3A_105, %get3A_114 : vector<16xf32>
        %add3A_116 = arith.constant 320 : i32
        %add3A_117 = arith.addi %mul3A_72, %add3A_116 : i32
        %get3A_118 = arith.index_cast %add3A_117 : i32 to index
        %get3A_119 = tpu.vector_load %arg4[%get3A_118] {strides = array<i32>} : memref<49152xf32, #tpu.memory_space<vmem>>, vector<16xf32>,
        %max3A_120 = arith.maximumf %max3A_110, %get3A_119 : vector<16xf32>
        %add3A_121 = arith.constant 208 : i32
        %add3A_122 = arith.addi %mul3A_72, %add3A_121 : i32
        %get3A_123 = arith.index_cast %add3A_122 : i32 to index
        %get3A_124 = tpu.vector_load %arg4[%get3A_123] {strides = array<i32>} : memref<49152xf32, #tpu.memory_space<vmem>>, vector<16xf32>,
        %max3A_125 = arith.maximumf %max3A_115, %get3A_124 : vector<16xf32>
        %add3A_126 = arith.constant 336 : i32
        %add3A_127 = arith.addi %mul3A_72, %add3A_126 : i32
        %get3A_128 = arith.index_cast %add3A_127 : i32 to index
        %get3A_129 = tpu.vector_load %arg4[%get3A_128] {strides = array<i32>} : memref<49152xf32, #tpu.memory_space<vmem>>, vector<16xf32>,
        %max3A_130 = arith.maximumf %max3A_120, %get3A_129 : vector<16xf32>
        %add3A_131 = arith.constant 224 : i32
        %add3A_132 = arith.addi %mul3A_72, %add3A_131 : i32
        %get3A_133 = arith.index_cast %add3A_132 : i32 to index
        %get3A_134 = tpu.vector_load %arg4[%get3A_133] {strides = array<i32>} : memref<49152xf32, #tpu.memory_space<vmem>>, vector<16xf32>,
        %max3A_135 = arith.maximumf %max3A_125, %get3A_134 : vector<16xf32>
        %add3A_136 = arith.constant 352 : i32
        %add3A_137 = arith.addi %mul3A_72, %add3A_136 : i32
        %get3A_138 = arith.index_cast %add3A_137 : i32 to index
        %get3A_139 = tpu.vector_load %arg4[%get3A_138] {strides = array<i32>} : memref<49152xf32, #tpu.memory_space<vmem>>, vector<16xf32>,
        %max3A_140 = arith.maximumf %max3A_130, %get3A_139 : vector<16xf32>
        %add3A_141 = arith.constant 240 : i32
        %add3A_142 = arith.addi %mul3A_72, %add3A_141 : i32
        %get3A_143 = arith.index_cast %add3A_142 : i32 to index
        %get3A_144 = tpu.vector_load %arg4[%get3A_143] {strides = array<i32>} : memref<49152xf32, #tpu.memory_space<vmem>>, vector<16xf32>,
        %max3A_145 = arith.maximumf %max3A_135, %get3A_144 : vector<16xf32>
        %add3A_146 = arith.constant 368 : i32
        %add3A_147 = arith.addi %mul3A_72, %add3A_146 : i32
        %get3A_148 = arith.index_cast %add3A_147 : i32 to index
        %get3A_149 = tpu.vector_load %arg4[%get3A_148] {strides = array<i32>} : memref<49152xf32, #tpu.memory_space<vmem>>, vector<16xf32>,
        %max3A_150 = arith.maximumf %max3A_140, %get3A_149 : vector<16xf32>
        scf.yield %max3A_145, %max3A_150 : vector<16xf32>, vector<16xf32>
      }
      scf.yield %while3A_67#0, %while3A_67#1 : vector<16xf32>, vector<16xf32>
    }
    %while3A_35 = arith.constant 1 : i32
    %while3A_36:2 = scf.for %while3A_44 = %while3A_32 to %while3A_28 step %while3A_35 iter_args(%while3A_45 = %while3A_34#0, %while3A_46 = %while3A_34#1) -> (vector<16xf32>, vector<16xf32>)  : i32 {
      %mul3A_47 = arith.constant 96 : i32
      %mul3A_48 = arith.muli %while3A_44, %mul3A_47 : i32
      %add3A_49 = arith.addi %mul3A_2, %mul3A_48 : i32
      %add3A_50 = arith.addi %mul3A_2, %min3A_4 : i32
      %sub3A_51 = arith.constant 96 : i32
      %sub3A_52 = arith.subi %add3A_50, %sub3A_51 : i32
      %min3A_53 = arith.minsi %add3A_49, %sub3A_52 : i32
      %mul3A_54 = arith.constant 512 : i32
      %mul3A_55 = arith.muli %min3A_53, %mul3A_54 : i32
      "tpu.region"() ({
        %run_scoped3A = tpu.sem_alloc : memref<!tpu.dma_semaphore, #tpu.memory_space<semaphore_mem>>
        %dma_start3A = tpu.memref_slice %arg2[%mul3A_55] : memref<8000000xf32, #tpu.memory_space<hbm>> -> memref<49152xf32, #tpu.memory_space<hbm>>
        %dma_start3A_68 = tpu.memref_slice %arg2[%mul3A_55] : memref<8000000xf32, #tpu.memory_space<hbm>> -> memref<49152xf32, #tpu.memory_space<hbm>>
        tpu.enqueue_dma source(%dma_start3A_68 : memref<49152xf32, #tpu.memory_space<hbm>>) target(%arg4 : memref<49152xf32, #tpu.memory_space<vmem>>) target_semaphore(%run_scoped3A : memref<!tpu.dma_semaphore, #tpu.memory_space<semaphore_mem>>)
        %dma_wait3A = tpu.memref_slice %arg2[%mul3A_55] : memref<8000000xf32, #tpu.memory_space<hbm>> -> memref<49152xf32, #tpu.memory_space<hbm>>
        %dma_wait3A_69 = tpu.memref_slice %arg2[%mul3A_55] : memref<8000000xf32, #tpu.memory_space<hbm>> -> memref<49152xf32, #tpu.memory_space<hbm>>
        tpu.wait_dma2 semaphore(%run_scoped3A : memref<!tpu.dma_semaphore, #tpu.memory_space<semaphore_mem>>) src(%dma_wait3A_69 : memref<49152xf32, #tpu.memory_space<hbm>>) dst(%arg4 : memref<49152xf32, #tpu.memory_space<vmem>>)
        tpu.yield
      }) : () -> ()
      %while3A_56 = arith.constant 0 : i32
      %while3A_57 = arith.constant 96 : i32
      %while3A_58 = arith.subi %while3A_57, %while3A_56 : i32
      %while3A_59 = arith.addi %while3A_56, %while3A_58 : i32
      %while3A_60 = arith.constant 1 : i32
      %while3A_61 = arith.divsi %while3A_58, %while3A_60 : i32
      %while3A_62 = arith.muli %while3A_61, %while3A_60 : i32
      %while3A_63 = arith.addi %while3A_56, %while3A_62 : i32
      %while3A_64 = arith.constant 1 : i32
      %while3A_65:2 = scf.for %while3A_68 = %while3A_56 to %while3A_63 step %while3A_64 iter_args(%while3A_69 = %while3A_45, %while3A_70 = %while3A_46) -> (vector<16xf32>, vector<16xf32>)  : i32 {
        %mul3A_71 = arith.constant 512 : i32
        %mul3A_72 = arith.muli %while3A_68, %mul3A_71 : i32
        %add3A_73 = arith.constant 128 : i32
        %add3A_74 = arith.addi %mul3A_72, %add3A_73 : i32
        %get3A = arith.index_cast %add3A_74 : i32 to index
        %get3A_75 = tpu.vector_load %arg4[%get3A] {strides = array<i32>} : memref<49152xf32, #tpu.memory_space<vmem>>, vector<16xf32>,
        %max3A = arith.maximumf %while3A_69, %get3A_75 : vector<16xf32>
        %add3A_76 = arith.constant 256 : i32
        %add3A_77 = arith.addi %mul3A_72, %add3A_76 : i32
        %get3A_78 = arith.index_cast %add3A_77 : i32 to index
        %get3A_79 = tpu.vector_load %arg4[%get3A_78] {strides = array<i32>} : memref<49152xf32, #tpu.memory_space<vmem>>, vector<16xf32>,
        %max3A_80 = arith.maximumf %while3A_70, %get3A_79 : vector<16xf32>
        %add3A_81 = arith.constant 144 : i32
        %add3A_82 = arith.addi %mul3A_72, %add3A_81 : i32
        %get3A_83 = arith.index_cast %add3A_82 : i32 to index
        %get3A_84 = tpu.vector_load %arg4[%get3A_83] {strides = array<i32>} : memref<49152xf32, #tpu.memory_space<vmem>>, vector<16xf32>,
        %max3A_85 = arith.maximumf %max3A, %get3A_84 : vector<16xf32>
        %add3A_86 = arith.constant 272 : i32
        %add3A_87 = arith.addi %mul3A_72, %add3A_86 : i32
        %get3A_88 = arith.index_cast %add3A_87 : i32 to index
        %get3A_89 = tpu.vector_load %arg4[%get3A_88] {strides = array<i32>} : memref<49152xf32, #tpu.memory_space<vmem>>, vector<16xf32>,
        %max3A_90 = arith.maximumf %max3A_80, %get3A_89 : vector<16xf32>
        %add3A_91 = arith.constant 160 : i32
        %add3A_92 = arith.addi %mul3A_72, %add3A_91 : i32
        %get3A_93 = arith.index_cast %add3A_92 : i32 to index
        %get3A_94 = tpu.vector_load %arg4[%get3A_93] {strides = array<i32>} : memref<49152xf32, #tpu.memory_space<vmem>>, vector<16xf32>,
        %max3A_95 = arith.maximumf %max3A_85, %get3A_94 : vector<16xf32>
        %add3A_96 = arith.constant 288 : i32
        %add3A_97 = arith.addi %mul3A_72, %add3A_96 : i32
        %get3A_98 = arith.index_cast %add3A_97 : i32 to index
        %get3A_99 = tpu.vector_load %arg4[%get3A_98] {strides = array<i32>} : memref<49152xf32, #tpu.memory_space<vmem>>, vector<16xf32>,
        %max3A_100 = arith.maximumf %max3A_90, %get3A_99 : vector<16xf32>
        %add3A_101 = arith.constant 176 : i32
        %add3A_102 = arith.addi %mul3A_72, %add3A_101 : i32
        %get3A_103 = arith.index_cast %add3A_102 : i32 to index
        %get3A_104 = tpu.vector_load %arg4[%get3A_103] {strides = array<i32>} : memref<49152xf32, #tpu.memory_space<vmem>>, vector<16xf32>,
        %max3A_105 = arith.maximumf %max3A_95, %get3A_104 : vector<16xf32>
        %add3A_106 = arith.constant 304 : i32
        %add3A_107 = arith.addi %mul3A_72, %add3A_106 : i32
        %get3A_108 = arith.index_cast %add3A_107 : i32 to index
        %get3A_109 = tpu.vector_load %arg4[%get3A_108] {strides = array<i32>} : memref<49152xf32, #tpu.memory_space<vmem>>, vector<16xf32>,
        %max3A_110 = arith.maximumf %max3A_100, %get3A_109 : vector<16xf32>
        %add3A_111 = arith.constant 192 : i32
        %add3A_112 = arith.addi %mul3A_72, %add3A_111 : i32
        %get3A_113 = arith.index_cast %add3A_112 : i32 to index
        %get3A_114 = tpu.vector_load %arg4[%get3A_113] {strides = array<i32>} : memref<49152xf32, #tpu.memory_space<vmem>>, vector<16xf32>,
        %max3A_115 = arith.maximumf %max3A_105, %get3A_114 : vector<16xf32>
        %add3A_116 = arith.constant 320 : i32
        %add3A_117 = arith.addi %mul3A_72, %add3A_116 : i32
        %get3A_118 = arith.index_cast %add3A_117 : i32 to index
        %get3A_119 = tpu.vector_load %arg4[%get3A_118] {strides = array<i32>} : memref<49152xf32, #tpu.memory_space<vmem>>, vector<16xf32>,
        %max3A_120 = arith.maximumf %max3A_110, %get3A_119 : vector<16xf32>
        %add3A_121 = arith.constant 208 : i32
        %add3A_122 = arith.addi %mul3A_72, %add3A_121 : i32
        %get3A_123 = arith.index_cast %add3A_122 : i32 to index
        %get3A_124 = tpu.vector_load %arg4[%get3A_123] {strides = array<i32>} : memref<49152xf32, #tpu.memory_space<vmem>>, vector<16xf32>,
        %max3A_125 = arith.maximumf %max3A_115, %get3A_124 : vector<16xf32>
        %add3A_126 = arith.constant 336 : i32
        %add3A_127 = arith.addi %mul3A_72, %add3A_126 : i32
        %get3A_128 = arith.index_cast %add3A_127 : i32 to index
        %get3A_129 = tpu.vector_load %arg4[%get3A_128] {strides = array<i32>} : memref<49152xf32, #tpu.memory_space<vmem>>, vector<16xf32>,
        %max3A_130 = arith.maximumf %max3A_120, %get3A_129 : vector<16xf32>
        %add3A_131 = arith.constant 224 : i32
        %add3A_132 = arith.addi %mul3A_72, %add3A_131 : i32
        %get3A_133 = arith.index_cast %add3A_132 : i32 to index
        %get3A_134 = tpu.vector_load %arg4[%get3A_133] {strides = array<i32>} : memref<49152xf32, #tpu.memory_space<vmem>>, vector<16xf32>,
        %max3A_135 = arith.maximumf %max3A_125, %get3A_134 : vector<16xf32>
        %add3A_136 = arith.constant 352 : i32
        %add3A_137 = arith.addi %mul3A_72, %add3A_136 : i32
        %get3A_138 = arith.index_cast %add3A_137 : i32 to index
        %get3A_139 = tpu.vector_load %arg4[%get3A_138] {strides = array<i32>} : memref<49152xf32, #tpu.memory_space<vmem>>, vector<16xf32>,
        %max3A_140 = arith.maximumf %max3A_130, %get3A_139 : vector<16xf32>
        %add3A_141 = arith.constant 240 : i32
        %add3A_142 = arith.addi %mul3A_72, %add3A_141 : i32
        %get3A_143 = arith.index_cast %add3A_142 : i32 to index
        %get3A_144 = tpu.vector_load %arg4[%get3A_143] {strides = array<i32>} : memref<49152xf32, #tpu.memory_space<vmem>>, vector<16xf32>,
        %max3A_145 = arith.maximumf %max3A_135, %get3A_144 : vector<16xf32>
        %add3A_146 = arith.constant 368 : i32
        %add3A_147 = arith.addi %mul3A_72, %add3A_146 : i32
        %get3A_148 = arith.index_cast %add3A_147 : i32 to index
        %get3A_149 = tpu.vector_load %arg4[%get3A_148] {strides = array<i32>} : memref<49152xf32, #tpu.memory_space<vmem>>, vector<16xf32>,
        %max3A_150 = arith.maximumf %max3A_140, %get3A_149 : vector<16xf32>
        scf.yield %max3A_145, %max3A_150 : vector<16xf32>, vector<16xf32>
      }
      %while3A_66 = arith.constant 1 : i32
      %while3A_67:2 = scf.for %while3A_68 = %while3A_63 to %while3A_59 step %while3A_66 iter_args(%while3A_69 = %while3A_65#0, %while3A_70 = %while3A_65#1) -> (vector<16xf32>, vector<16xf32>)  : i32 {
        %mul3A_71 = arith.constant 512 : i32
        %mul3A_72 = arith.muli %while3A_68, %mul3A_71 : i32
        %add3A_73 = arith.constant 128 : i32
        %add3A_74 = arith.addi %mul3A_72, %add3A_73 : i32
        %get3A = arith.index_cast %add3A_74 : i32 to index
        %get3A_75 = tpu.vector_load %arg4[%get3A] {strides = array<i32>} : memref<49152xf32, #tpu.memory_space<vmem>>, vector<16xf32>,
        %max3A = arith.maximumf %while3A_69, %get3A_75 : vector<16xf32>
        %add3A_76 = arith.constant 256 : i32
        %add3A_77 = arith.addi %mul3A_72, %add3A_76 : i32
        %get3A_78 = arith.index_cast %add3A_77 : i32 to index
        %get3A_79 = tpu.vector_load %arg4[%get3A_78] {strides = array<i32>} : memref<49152xf32, #tpu.memory_space<vmem>>, vector<16xf32>,
        %max3A_80 = arith.maximumf %while3A_70, %get3A_79 : vector<16xf32>
        %add3A_81 = arith.constant 144 : i32
        %add3A_82 = arith.addi %mul3A_72, %add3A_81 : i32
        %get3A_83 = arith.index_cast %add3A_82 : i32 to index
        %get3A_84 = tpu.vector_load %arg4[%get3A_83] {strides = array<i32>} : memref<49152xf32, #tpu.memory_space<vmem>>, vector<16xf32>,
        %max3A_85 = arith.maximumf %max3A, %get3A_84 : vector<16xf32>
        %add3A_86 = arith.constant 272 : i32
        %add3A_87 = arith.addi %mul3A_72, %add3A_86 : i32
        %get3A_88 = arith.index_cast %add3A_87 : i32 to index
        %get3A_89 = tpu.vector_load %arg4[%get3A_88] {strides = array<i32>} : memref<49152xf32, #tpu.memory_space<vmem>>, vector<16xf32>,
        %max3A_90 = arith.maximumf %max3A_80, %get3A_89 : vector<16xf32>
        %add3A_91 = arith.constant 160 : i32
        %add3A_92 = arith.addi %mul3A_72, %add3A_91 : i32
        %get3A_93 = arith.index_cast %add3A_92 : i32 to index
        %get3A_94 = tpu.vector_load %arg4[%get3A_93] {strides = array<i32>} : memref<49152xf32, #tpu.memory_space<vmem>>, vector<16xf32>,
        %max3A_95 = arith.maximumf %max3A_85, %get3A_94 : vector<16xf32>
        %add3A_96 = arith.constant 288 : i32
        %add3A_97 = arith.addi %mul3A_72, %add3A_96 : i32
        %get3A_98 = arith.index_cast %add3A_97 : i32 to index
        %get3A_99 = tpu.vector_load %arg4[%get3A_98] {strides = array<i32>} : memref<49152xf32, #tpu.memory_space<vmem>>, vector<16xf32>,
        %max3A_100 = arith.maximumf %max3A_90, %get3A_99 : vector<16xf32>
        %add3A_101 = arith.constant 176 : i32
        %add3A_102 = arith.addi %mul3A_72, %add3A_101 : i32
        %get3A_103 = arith.index_cast %add3A_102 : i32 to index
        %get3A_104 = tpu.vector_load %arg4[%get3A_103] {strides = array<i32>} : memref<49152xf32, #tpu.memory_space<vmem>>, vector<16xf32>,
        %max3A_105 = arith.maximumf %max3A_95, %get3A_104 : vector<16xf32>
        %add3A_106 = arith.constant 304 : i32
        %add3A_107 = arith.addi %mul3A_72, %add3A_106 : i32
        %get3A_108 = arith.index_cast %add3A_107 : i32 to index
        %get3A_109 = tpu.vector_load %arg4[%get3A_108] {strides = array<i32>} : memref<49152xf32, #tpu.memory_space<vmem>>, vector<16xf32>,
        %max3A_110 = arith.maximumf %max3A_100, %get3A_109 : vector<16xf32>
        %add3A_111 = arith.constant 192 : i32
        %add3A_112 = arith.addi %mul3A_72, %add3A_111 : i32
        %get3A_113 = arith.index_cast %add3A_112 : i32 to index
        %get3A_114 = tpu.vector_load %arg4[%get3A_113] {strides = array<i32>} : memref<49152xf32, #tpu.memory_space<vmem>>, vector<16xf32>,
        %max3A_115 = arith.maximumf %max3A_105, %get3A_114 : vector<16xf32>
        %add3A_116 = arith.constant 320 : i32
        %add3A_117 = arith.addi %mul3A_72, %add3A_116 : i32
        %get3A_118 = arith.index_cast %add3A_117 : i32 to index
        %get3A_119 = tpu.vector_load %arg4[%get3A_118] {strides = array<i32>} : memref<49152xf32, #tpu.memory_space<vmem>>, vector<16xf32>,
        %max3A_120 = arith.maximumf %max3A_110, %get3A_119 : vector<16xf32>
        %add3A_121 = arith.constant 208 : i32
        %add3A_122 = arith.addi %mul3A_72, %add3A_121 : i32
        %get3A_123 = arith.index_cast %add3A_122 : i32 to index
        %get3A_124 = tpu.vector_load %arg4[%get3A_123] {strides = array<i32>} : memref<49152xf32, #tpu.memory_space<vmem>>, vector<16xf32>,
        %max3A_125 = arith.maximumf %max3A_115, %get3A_124 : vector<16xf32>
        %add3A_126 = arith.constant 336 : i32
        %add3A_127 = arith.addi %mul3A_72, %add3A_126 : i32
        %get3A_128 = arith.index_cast %add3A_127 : i32 to index
        %get3A_129 = tpu.vector_load %arg4[%get3A_128] {strides = array<i32>} : memref<49152xf32, #tpu.memory_space<vmem>>, vector<16xf32>,
        %max3A_130 = arith.maximumf %max3A_120, %get3A_129 : vector<16xf32>
        %add3A_131 = arith.constant 224 : i32
        %add3A_132 = arith.addi %mul3A_72, %add3A_131 : i32
        %get3A_133 = arith.index_cast %add3A_132 : i32 to index
        %get3A_134 = tpu.vector_load %arg4[%get3A_133] {strides = array<i32>} : memref<49152xf32, #tpu.memory_space<vmem>>, vector<16xf32>,
        %max3A_135 = arith.maximumf %max3A_125, %get3A_134 : vector<16xf32>
        %add3A_136 = arith.constant 352 : i32
        %add3A_137 = arith.addi %mul3A_72, %add3A_136 : i32
        %get3A_138 = arith.index_cast %add3A_137 : i32 to index
        %get3A_139 = tpu.vector_load %arg4[%get3A_138] {strides = array<i32>} : memref<49152xf32, #tpu.memory_space<vmem>>, vector<16xf32>,
        %max3A_140 = arith.maximumf %max3A_130, %get3A_139 : vector<16xf32>
        %add3A_141 = arith.constant 240 : i32
        %add3A_142 = arith.addi %mul3A_72, %add3A_141 : i32
        %get3A_143 = arith.index_cast %add3A_142 : i32 to index
        %get3A_144 = tpu.vector_load %arg4[%get3A_143] {strides = array<i32>} : memref<49152xf32, #tpu.memory_space<vmem>>, vector<16xf32>,
        %max3A_145 = arith.maximumf %max3A_135, %get3A_144 : vector<16xf32>
        %add3A_146 = arith.constant 368 : i32
        %add3A_147 = arith.addi %mul3A_72, %add3A_146 : i32
        %get3A_148 = arith.index_cast %add3A_147 : i32 to index
        %get3A_149 = tpu.vector_load %arg4[%get3A_148] {strides = array<i32>} : memref<49152xf32, #tpu.memory_space<vmem>>, vector<16xf32>,
        %max3A_150 = arith.maximumf %max3A_140, %get3A_149 : vector<16xf32>
        scf.yield %max3A_145, %max3A_150 : vector<16xf32>, vector<16xf32>
      }
      scf.yield %while3A_67#0, %while3A_67#1 : vector<16xf32>, vector<16xf32>
    }
    %swap3A = arith.constant 0 : i64
    %swap3A_37 = arith.index_cast %swap3A : i64 to index
    %swap3A_38 = arith.constant 0 : index
    %swap3A_39 = tpu.vector_load %arg5[%swap3A_37, %swap3A_38] {strides = array<i32>} : memref<2x16xf32, #tpu.memory_space<vmem>>, vector<16xf32>,
    tpu.vector_store %arg5[%swap3A_37, %swap3A_38], %while3A_36#0 {strides = array<i32>} : memref<2x16xf32, #tpu.memory_space<vmem>>, vector<16xf32>,
    %swap3A_40 = arith.constant 1 : i64
    %swap3A_41 = arith.index_cast %swap3A_40 : i64 to index
    %swap3A_42 = arith.constant 0 : index
    %swap3A_43 = tpu.vector_load %arg5[%swap3A_41, %swap3A_42] {strides = array<i32>} : memref<2x16xf32, #tpu.memory_space<vmem>>, vector<16xf32>,
    tpu.vector_store %arg5[%swap3A_41, %swap3A_42], %while3A_36#1 {strides = array<i32>} : memref<2x16xf32, #tpu.memory_space<vmem>>, vector<16xf32>,
    "tpu.region"() ({
      %run_scoped3A = tpu.sem_alloc : memref<!tpu.dma_semaphore, #tpu.memory_space<semaphore_mem>>
      %dma_start3A = arith.constant 0 : i32
      %dma_start3A_44 = arith.constant 0 : i32
      %dma_start3A_45 = tpu.memref_slice %arg3[%add3A, %dma_start3A, %dma_start3A_44] : memref<32x2x16xf32, #tpu.memory_space<hbm>> -> memref<1x2x16xf32, #tpu.memory_space<hbm>>
      %dma_start3A_46 = tpu.memref_squeeze %dma_start3A_45 : memref<1x2x16xf32, #tpu.memory_space<hbm>> -> memref<2x16xf32, #tpu.memory_space<hbm>>
      %dma_start3A_47 = arith.constant 0 : i32
      %dma_start3A_48 = arith.constant 0 : i32
      %dma_start3A_49 = tpu.memref_slice %arg3[%add3A, %dma_start3A_47, %dma_start3A_48] : memref<32x2x16xf32, #tpu.memory_space<hbm>> -> memref<1x2x16xf32, #tpu.memory_space<hbm>>
      %dma_start3A_50 = tpu.memref_squeeze %dma_start3A_49 : memref<1x2x16xf32, #tpu.memory_space<hbm>> -> memref<2x16xf32, #tpu.memory_space<hbm>>
      tpu.enqueue_dma source(%arg5 : memref<2x16xf32, #tpu.memory_space<vmem>>) target(%dma_start3A_50 : memref<2x16xf32, #tpu.memory_space<hbm>>) target_semaphore(%run_scoped3A : memref<!tpu.dma_semaphore, #tpu.memory_space<semaphore_mem>>)
      %dma_wait3A = arith.constant 0 : i32
      %dma_wait3A_51 = arith.constant 0 : i32
      %dma_wait3A_52 = tpu.memref_slice %arg3[%add3A, %dma_wait3A, %dma_wait3A_51] : memref<32x2x16xf32, #tpu.memory_space<hbm>> -> memref<1x2x16xf32, #tpu.memory_space<hbm>>
      %dma_wait3A_53 = tpu.memref_squeeze %dma_wait3A_52 : memref<1x2x16xf32, #tpu.memory_space<hbm>> -> memref<2x16xf32, #tpu.memory_space<hbm>>
      %dma_wait3A_54 = arith.constant 0 : i32
      %dma_wait3A_55 = arith.constant 0 : i32
      %dma_wait3A_56 = tpu.memref_slice %arg3[%add3A, %dma_wait3A_54, %dma_wait3A_55] : memref<32x2x16xf32, #tpu.memory_space<hbm>> -> memref<1x2x16xf32, #tpu.memory_space<hbm>>
      %dma_wait3A_57 = tpu.memref_squeeze %dma_wait3A_56 : memref<1x2x16xf32, #tpu.memory_space<hbm>> -> memref<2x16xf32, #tpu.memory_space<hbm>>
      tpu.wait_dma2 semaphore(%run_scoped3A : memref<!tpu.dma_semaphore, #tpu.memory_space<semaphore_mem>>) src(%arg5 : memref<2x16xf32, #tpu.memory_space<vmem>>) dst(%dma_wait3A_57 : memref<2x16xf32, #tpu.memory_space<hbm>>)
      tpu.yield
    }) : () -> ()
    return
  }
}

</mosaic_0001>

<sc_bundles>
// kernel: _max_kernel.3.cloned.1.call-start
scs
__scs_entry_jumppad:
0x0: {  	(pc) =	sbr.rel $0x88, $3  }
0x1: {  	(tag) =	ssettag $0x0;
	lr =	simm.s32 $0x1  }
0x2: {  	[smem:$0x3FA0] =	sst lr;
	_ =	strace $0xD0000000  }
0x3: {  	_ = 	snop  }
0x4: {  	_ = 	snop  }
0x5: {  	_ = 	snop  }
0x6: {  	_ = 	snop  }
0x7: {  	_ = 	snop  }
__scs_overlays_trampoline_lowered:
0x8: {  	[smem:$0x3FAF] =	sst s0  }
0x9: {  	[smem:$0x3FB0] =	sst s1  }
0xa: {  	[smem:$0x3FB1] =	sst s2  }
0xb: {  	[smem:$0x3FB2] =	sst s3  }
0xc: {  	[smem:$0x3FB3] =	sst s4  }
0xd: {  	[smem:$0x3FB4] =	sst s5  }
0xe: {  	[smem:$0x3FB5] =	sst s6  }
0xf: {  	[smem:$0x3FB6] =	sst s7  }
0x10: {  	[smem:$0x3FB7] =	sst s8  }
0x11: {  	[smem:$0x3FB8] =	sst s9;
	s0 =	simm.s32 @!p0 $0x0  }
0x12: {  	s1 =	sld [smem:$0x3F9E];
	s0 =	simm.s32 @p0 $0x1  }
0x13: {  	[smem:$0x3FB9] =	sst s0;
	s0 =	simm.s32 @!p1 $0x0  }
0x14: {  	s2 =	sld [smem:$0x3F9D];
	s0 =	simm.s32 @p1 $0x1  }
0x15: {  	[smem:$0x3FBA] =	sst s0;
	s0 =	simm.s32 @!p2 $0x0  }
0x16: {  	s3 =	sld [smem:$0x3FDB];
	s0 =	simm.s32 @p2 $0x1  }
0x17: {  	s4 =	simm.s32 $0x1BF5;
	[smem:$0x3FBC] =	sst s0  }
0x18: {  	s0 =	sld [smem:$0x3F9F];
	_ =	swait.ge [sflag:s4], $0x0  }
0x19: {  	s7 =	sld [smem:$0x3FA0]  }
0x1a: {  	s8 =	sadd.s32 $0xFFFFE003, lr  }
0x1b: {  	s9 =	sadd.s32 $0xFFFFFEF7, lr;
	s5 =	simm.s32 $0xFFFFFFFF;
	p2 =	slt.u32 s8, $0xFFFFF086  }
0x1c: {  	p1 =	slt.u32 s9, $0xF7A;
	s5 =	simm.s32 @!p2 $0x0  }
0x1d: {  	s5 =	simm.s32 @p1 $0x1;
	p0 =	seq.s32 s7, s2  }
0x1e: {  	s7 =	smul.u32 @!p0 $0xF7A, s2;
	p2 =	seq.s32 @!p0 s5, $0x0  }
0x1f: {  	s9 =	smul.u32 $0xF7A, s1;
	s8 =	simm.s32 @!p0 $0x1BF5;
	p2 =	por !p2, p0  }
0x20: {  	[sflag:s8] =	ssyncset.s32 @!p0 $0xFFFFF086;
	s6 =	sadd.s32 @!p0 s3, s7;
	s7 =	simm.s32 @!p0 $0x108  }
0x21: {  	s3 =	sadd.s32 s3, s9;
	s6 =	sadd.s32 @!p0 $0x88, s6;
	s7 =	simm.s32 @p2 $0x1082  }
0x22: {  	[simem:s7], [sflag:s8] =	dma.local @!p0 [hbm:s6], $0xF7A  }
0x23: {  	s9 =	sor.u32 $0xD0000000, s2;
	s6 =	simm.s32 $0x108;
	_ =	swait.ge @!p0 [sflag:s8], $0x0  }
0x24: {  	s3 =	sadd.s32 $0x88, s3;
	s6 =	simm.s32 @!p1 $0x1082;
	[sflag:s4] =	ssyncset.s32 $0xFFFFF086  }
0x25: {  	[simem:s6], [sflag:s4] =	dma.local [hbm:s3], $0xF7A  }
0x26: {  	[smem:$0x3FA0] =	sst s1;
	(tag) =	ssettag s2;
	_ =	strace s9  }
0x27: {  	s1 =	sld [smem:$0x3FB0]  }
0x28: {  	s2 =	sld [smem:$0x3FB1]  }
0x29: {  	s4 =	sld [smem:$0x3FB3]  }
0x2a: {  	p0 =	seq.s32 s5, $0x0;
	s5 =	sld [smem:$0x3FB4]  }
0x2b: {  	s6 =	sld [smem:$0x3FB5]  }
0x2c: {  	s7 =	sld [smem:$0x3FB6]  }
0x2d: {  	s3 =	simm.s32 $0x108;
	s8 =	sld [smem:$0x3FB7]  }
0x2e: {  	s3 =	simm.s32 @!p0 $0x1082;
	s9 =	sld [smem:$0x3FB8]  }
0x2f: {  	lr =	sadd.s32 s0, s3;
	s0 =	sld [smem:$0x3FAF]  }
0x30: {  	s3 =	sld [smem:$0x3FB2]  }
0x31: {  	[smem:$0x3FBB] =	sst s10  }
0x32: {  	s10 =	sld [smem:$0x3FB9];
	_ =	sdelay $0x3  }
0x33: {  	p0 =	seq.s32 s10, $0x1;
	s10 =	sld [smem:$0x3FBB];
	_ =	sdelay $0x3  }
0x34: {  	[smem:$0x3FBB] =	sst s10  }
0x35: {  	s10 =	sld [smem:$0x3FBA];
	_ =	sdelay $0x3  }
0x36: {  	p1 =	seq.s32 s10, $0x1;
	s10 =	sld [smem:$0x3FBB];
	_ =	sdelay $0x3  }
0x37: {  	[smem:$0x3FBB] =	sst s10  }
0x38: {  	s10 =	sld [smem:$0x3FBC]  }
0x39: {  	_ = 	snop;
	(pc) =	sbr.ind lr, $3  }
0x3a: {  	_ = 	snop  }
0x3b: {  	_ = 	snop  }
0x3c: {  	p2 =	seq.s32 s10, $0x1;
	s10 =	sld [smem:$0x3FBB]  }
0x3d: {  	_ =	shalt  }
0x3e: {  	_ =	shalt  }
0x3f: {  	_ =	shalt  }
0x40: {  	_ =	shalt  }
0x41: {  	_ =	shalt  }
0x42: {  	_ =	shalt  }
0x43: {  	_ =	shalt  }
0x44: {  	_ =	shalt  }
0x45: {  	_ =	shalt  }
0x46: {  	_ =	shalt  }
0x47: {  	_ =	shalt  }
0x48: {  	_ =	shalt  }
0x49: {  	_ =	shalt  }
0x4a: {  	_ =	shalt  }
0x4b: {  	_ =	shalt  }
0x4c: {  	_ =	shalt  }
0x4d: {  	_ =	shalt  }
0x4e: {  	_ =	shalt  }
0x4f: {  	_ =	shalt  }
0x50: {  	_ =	shalt  }
0x51: {  	_ =	shalt  }
0x52: {  	_ =	shalt  }
0x53: {  	_ =	shalt  }
0x54: {  	_ =	shalt  }
0x55: {  	_ =	shalt  }
0x56: {  	_ =	shalt  }
0x57: {  	_ =	shalt  }
0x58: {  	_ =	shalt  }
0x59: {  	_ =	shalt  }
0x5a: {  	_ =	shalt  }
0x5b: {  	_ =	shalt  }
0x5c: {  	_ =	shalt  }
0x5d: {  	_ =	shalt  }
0x5e: {  	_ =	shalt  }
0x5f: {  	_ =	shalt  }
0x60: {  	_ =	shalt  }
0x61: {  	_ =	shalt  }
0x62: {  	_ =	shalt  }
0x63: {  	_ =	shalt  }
0x64: {  	_ =	shalt  }
0x65: {  	_ =	shalt  }
0x66: {  	_ =	shalt  }
0x67: {  	_ =	shalt  }
0x68: {  	_ =	shalt  }
0x69: {  	_ =	shalt  }
0x6a: {  	_ =	shalt  }
0x6b: {  	_ =	shalt  }
0x6c: {  	_ =	shalt  }
0x6d: {  	_ =	shalt  }
0x6e: {  	_ =	shalt  }
0x6f: {  	_ =	shalt  }
0x70: {  	_ =	shalt  }
0x71: {  	_ =	shalt  }
0x72: {  	_ =	shalt  }
0x73: {  	_ =	shalt  }
0x74: {  	_ =	shalt  }
0x75: {  	_ =	shalt  }
0x76: {  	_ =	shalt  }
0x77: {  	_ =	shalt  }
0x78: {  	_ =	shalt  }
0x79: {  	_ =	shalt  }
0x7a: {  	_ =	shalt  }
0x7b: {  	_ =	shalt  }
0x7c: {  	_ =	shalt  }
0x7d: {  	_ =	shalt  }
0x7e: {  	_ =	shalt  }
0x7f: {  	_ =	shalt  }
0x80: {  	_ =	shalt  }
0x81: {  	_ =	shalt  }
0x82: {  	_ =	shalt  }
0x83: {  	_ =	shalt  }
0x84: {  	_ =	shalt  }
0x85: {  	_ =	shalt  }
0x86: {  	_ =	shalt  }
0x87: {  	_ =	shalt  }
.Lfunc_end0:
.L_simem_size_0:
called_computation_lowered:
.L_overlay_start_0:
0x88: {  	s2 =	sld [smem:$0x3FD9]  }
0x89: {  	s3 =	sld [smem:$0x3FFE];
	_ =	sdelay $0x1  }
0x8a: {  	s1 =	srdreg.scid  }
0x8b: {  	s0 =	sand.u32 $0x1, s1  }
0x8c: {  	s17 =	sshll.u32 s0, $0xA;
	s2 =	sadd.s32 s3, s2  }
0x8d: {  	s2 =	sadd.s32 s2, s17  }
0x8e: {  	[smem:$0x3FC7] =	sst s2  }
0x8f: {  	_ = 	snop  }
0x90: {  	s2 =	sld [smem:$0x3FC9];
	(tm) =	ssettm $0x1  }
0x91: {  	s18 =	sld [smem:$0x3FFB];
	_ =	sdelay $0x3  }
0x92: {  	_ =	strace s18  }
0x93: {  	s3 =	sld [smem:$0x3FFC];
	_ =	sdelay $0x3  }
0x94: {  	_ =	strace s3  }
0x95: {  	s3 =	sld [smem:$0x3FFD];
	_ =	sdelay $0x3  }
0x96: {  	_ =	strace s3  }
0x97: {  	_ =	strace $0x8FFFFFFF  }
0x98: {  	s19 =	sld [smem:$0x3FDB];
	_ =	sdelay $0x1  }
0x99: {  	s4 =	simm.s32 $_scs_section_size  }
0x9a: {  	s5 =	simm.s32 $_size__tile_overlayer_lowered;
	s6 =	simm.s32 $_tile_overlayer_lowered  }
0x9b: {  	s22 =	simm.s32 $0x1BFF;
	s21 =	sshll.u32 s6, $0x1;
	s3 =	sadd.s32 s4, s19  }
0x9c: {  	s7 =	simm.s32 $0x0;
	s20 =	sshll.u32 s5, $0x1;
	s5 =	sadd.s32 s21, s3  }
0x9d: {  	[timem:s7], [sflag:s22] =	dma.local [hbm:s5], s20  }
0x9e: {  	_ =	swait.ge [sflag:s22], s20  }
0x9f: {  	s4 =	ssub.s32 $0x0, s20;
	[sflag:s22] =	ssyncset.done $0x0  }
0xa0: {  	[sflag:s22] =	ssyncadd.s32 s4;
	_ =	sdelay $0x1  }
0xa1: {  	s23 =	simm.s32 $0x1B8B  }
0xa2: {  	_ =	swait.ge [sflag:s23], $0x1  }
0xa3: {  	[sflag:s23] =	ssyncset.done $0x0  }
0xa4: {  	s25 =	simm.s32 $0x1B8E;
	s24 =	sld [smem:$0x3FFE];
	[sflag:s23] =	ssyncadd.s32 $0xFFFFFFFF  }
0xa5: {  	s26 =	simm.s32 $execute0_lowered;
	[smem:$0x3FD2] =	sst s25  }
0xa6: {  	s5 =	sshll.u32 s26, $0x1;
	_ =	strace $0x80000046;
	[dreg:$0x1] =	wrdreg $0xFFFFFFFF  }
0xa7: {  	s28 =	simm.s32 $_size_execute0_lowered;
	s3 =	sadd.s32 s3, s5;
	[dreg:$0x0] =	wrdreg $0x0  }
0xa8: {  	s5 =	sshll.u32 s28, $0x1;
	[dreg:$0x2] =	wrdreg s3  }
0xa9: {  	[dreg:$0x3] =	wrdreg s5  }
0xaa: {  	[dreg:$0x4] =	wrdreg $0xC0  }
0xab: {  	_ =	task [dreg:s7], $0x5FFFF  }
0xac: {  	[dreg:$0x1] =	wrdreg $0xFFFFFFFF  }
0xad: {  	[dreg:$0x0] =	wrdreg $0x60  }
0xae: {  	[dreg:$0x2] =	wrdreg s2  }
0xaf: {  	[dreg:$0x3] =	wrdreg s24  }
0xb0: {  	[dreg:$0x4] =	wrdreg $0x9  }
0xb1: {  	_ =	task.clear_ibuf [dreg:s7], $0x5FFFF;
	_ =	strace $0x90000046  }
0xb2: {  	s29 =	simm.s32 $0x9;
	_ =	strace $0x80000048  }
0xb3: {  	_ =	swait.ge [sflag:s29], $0x1  }
0xb4: {  	[sflag:s29] =	ssyncadd.s32 $0xFFFFFFFF  }
0xb5: {  	_ =	strace $0x90000048  }
0xb6: {  	_ =	sfence  }
0xb7: {  	s30 =	sld [smem:$0x0];
	_ =	sdelay $0x2  }
0xb8: {  	s31 =	sshll.u32 s1, $0xD;
	s1 =	sshrl.u32 s1, $0x2  }
0xb9: {  	s3 =	sand.u32 $0x4000, s31;
	s1 =	sadd.s32 s1, s30  }
0xba: {  	s0 =	sor.u32 s3, s0;
	s1 =	sshll.u32 s1, $0x11  }
0xbb: {  	s0 =	sor.u32 s1, s0  }
0xbc: {  	s0 =	sadd.s32 $0x8F2B, s0  }
0xbd: {  	[sflag:s0] =	ssyncadd.remote.s32 $0x1  }
0xbe: {  	_ =	sfence.sel $0xFFFF  }
0xbf: {  	[dreg:$0x0] =	wrdreg $0xFFFFFFFF;
	(pc) =	sbr.abs _section_cstart, $3  }
0xc0: {  	[dreg:$0x1] =	wrdreg $0xFFFFFFFF  }
0xc1: {  	_ =	task.clear_ibuf [dreg:s7], $0x2FFFF;
	_ =	strace $0x9FFFFFFF  }
0xc2: {  	(tm) =	ssettm $0x7FFFFFFF  }
0xc3: {  	_ =	shalt  }
tec
execute0_lowered:
.L_overlay_start_1:
0x0: {  	(tag) =	ssettag $0x1  }
0x1: {  	s1 =	rddreg [dreg:$0x0]  }
0x2: {  	s0 =	srdreg.scid;
	s7 =	rddreg [dreg:$0x1]  }
0x3: {  	s2 =	rddreg [dreg:$0x2];
	s5 =	sand.u32 $0x1, s0  }
0x4: {  	s0 =	stileid.u32;
	s6 =	smul.u32 $0xFFFFFE17, s5  }
0x5: {  	s3 =	simm.s32 $0x0;
	s4 =	sshll.u32 s0, $0x1;
	s8 =	smul.u32 $0xFFFFFC2E, s0  }
0x6: {  	s10 =	simm.s32 $0xC000;
	s11 =	simm.s32 $0x0;
	s9 =	sor.u32 s5, s4  }
0x7: {  	[smem:$0x7FF] =	sst s3;
	s4 =	smul.u32 $0x1E9, s9;
	s6 =	sadd.s32 s8, s6  }
0x8: {  	_ =	strace $0x80000047;
	s5 =	ssub.s32 $0x2, s5;
	s6 =	sadd.s32 $0x3D09, s6  }
0x9: {  	s28 =	sshll.u32 s9, $0x5;
	s29 =	ssub.s32 $0x3D09, s4;
	s6 =	smin.u32 s6, $0x1E9  }
0xa: {  	s30 =	sshrl.u32 s5, $0x1;
	s9 =	smin.u32 s29, $0x1E9;
	s6 =	smul.u32 $0x2AB, s6  }
0xb: {  	s7 =	sadd.s32 s28, s7;
	s8 =	ssub.s32 s5, s30;
	s9 =	sadd.s32 s9, s4  }
0xc: {  	s8 =	smax.u32 s8, $0x1;
	s5 =	sadd.s32 $0xFFFFFFA0, s9;
	s31 =	sadd.s32 $0xFD75, s6  }
0xd: {  	s6 =	sadd.s32 $0x400, s7;
	s9 =	simm.s32 $0x1;
	s7 =	sshrl.u32 s31, $0x10  }
.LBB2_1:
0xe: {  	v4 =	vimm.f32 $-1.000000000e+00;
	v5 =	vimm.f32 $-1.000000000e+00;
	s12 =	simm.s32 $0x0  }
.LBB2_2:
0xf: {  	s13 =	smul.u32 $0x60, s12;
	_ =	sdelay $0x1  }
0x10: {  	s13 =	sadd.s32 s4, s13  }
0x11: {  	s14 =	smov.u32 s5;
	p0 =	slt.s32 s13, s5  }
0x12: {  	s14 =	smov.u32 @p0 s13  }
0x13: {  	s13 =	sshll.u32 s14, $0x6  }
0x14: {  	s13 =	sand.u32 $0x1FFFFFC0, s13  }
0x15: {  	s31 =	simm.s32 $0x0;
	s13 =	sadd.s32 s1, s13  }
0x16: {  	[tilespmem:s31], [sflag:$0x1] =	stream.linear.gather [hbm4b:s13+s31], $0xC000, $0x38;
	[tilespmem:$0xC100] =	vst v63  }
0x17: {  	_ =	swait.ge [sflag:s9], $0xC000  }
0x18: {  	[sflag:s9] =	ssyncset.done $0x0  }
0x19: {  	s13 =	simm.s32 $0x0;
	[sflag:s9] =	ssyncadd.s32 $0xFFFF4000  }
0x1a: {  	v0 =	vld [tilespmem:s13+$0xF0]  }
0x1b: {  	v2 =	vld [tilespmem:s13+$0xE0]  }
0x1c: {  	v1 =	vld [tilespmem:s13+$0xD0]  }
0x1d: {  	v3 =	vld [tilespmem:s13+$0xC0]  }
0x1e: {  	v6 =	vld [tilespmem:s13+$0xB0]  }
0x1f: {  	v7 =	vld [tilespmem:s13+$0xA0]  }
0x20: {  	v8 =	vld [tilespmem:s13+$0x90]  }
0x21: {  	s14 =	simm.s32 $0x800;
	v9 =	vld [tilespmem:s13+$0x80]  }
.LBB2_3:
0x22: {  	p0 =	sne.s32 s14, $0x2F800;
	v10 =	vld [tilespmem:s13+$0x100]  }
0x23: {  	v11 =	vld [tilespmem:s13+$0x110]  }
0x24: {  	v12 =	vld [tilespmem:s13+$0x120]  }
0x25: {  	v13 =	vld [tilespmem:s13+$0x130]  }
0x26: {  	v14 =	vld [tilespmem:s13+$0x140]  }
0x27: {  	v5 =	vmax.f32 v5, v9;
	v4 =	vmax.f32 v4, v10;
	v9 =	vld [tilespmem:s13+$0x150]  }
0x28: {  	v5 =	vmax.f32 v5, v8;
	v4 =	vmax.f32 v4, v11;
	v8 =	vld [tilespmem:s13+$0x160]  }
0x29: {  	v5 =	vmax.f32 v5, v7;
	v4 =	vmax.f32 v4, v12;
	v7 =	vld [tilespmem:s13+$0x170];
	s13 =	sshra.s32 s14, $0x2  }
0x2a: {  	v5 =	vmax.f32 v5, v6;
	v10 =	vld [tilespmem:s13+$0xF0];
	v4 =	vmax.f32 v4, v13  }
0x2b: {  	v3 =	vmax.f32 v5, v3;
	v11 =	vld [tilespmem:s13+$0xE0];
	v4 =	vmax.f32 v4, v14  }
0x2c: {  	v5 =	vmax.f32 v3, v1;
	v1 =	vld [tilespmem:s13+$0xD0];
	v4 =	vmax.f32 v4, v9  }
.Ltmp0:
0x2d: {  	v2 =	vmax.f32 v5, v2;
	v3 =	vld [tilespmem:s13+$0xC0];
	v4 =	vmax.f32 v4, v8;
	(pc) =	sbr.rel @p0 .LBB2_3-.Ltmp0, $4  }
0x2e: {  	v5 =	vmax.f32 v2, v0;
	v6 =	vld [tilespmem:s13+$0xB0];
	v4 =	vmax.f32 v4, v7  }
0x2f: {  	v7 =	vld [tilespmem:s13+$0xA0];
	v0 =	vmov v10  }
0x30: {  	v8 =	vld [tilespmem:s13+$0x90];
	v2 =	vmov v11  }
0x31: {  	s14 =	sadd.s32 $0x800, s14;
	v9 =	vld [tilespmem:s13+$0x80]  }
0x32: {  	v10 =	vld [tilespmem:s13+$0x100]  }
0x33: {  	v11 =	vld [tilespmem:s13+$0x110]  }
0x34: {  	v12 =	vld [tilespmem:s13+$0x120]  }
0x35: {  	v13 =	vld [tilespmem:s13+$0x130]  }
0x36: {  	v14 =	vld [tilespmem:s13+$0x140]  }
0x37: {  	v61 =	vld [tilespmem:s13+$0x150];
	v5 =	vmax.f32 v5, v9;
	v4 =	vmax.f32 v4, v10  }
0x38: {  	v62 =	vld [tilespmem:s13+$0x160];
	s12 =	sadd.s32 $0x1, s12;
	v5 =	vmax.f32 v5, v8;
	v4 =	vmax.f32 v4, v11  }
0x39: {  	p0 =	sne.s32 s12, s7;
	v5 =	vmax.f32 v5, v7;
	v7 =	vld [tilespmem:s13+$0x170];
	v4 =	vmax.f32 v4, v12  }
.Ltmp1:
0x3a: {  	v5 =	vmax.f32 v5, v6;
	v4 =	vmax.f32 v4, v13;
	(pc) =	sbr.rel @p0 .LBB2_2-.Ltmp1, $4  }
0x3b: {  	v3 =	vmax.f32 v5, v3;
	v4 =	vmax.f32 v4, v14  }
0x3c: {  	v1 =	vmax.f32 v3, v1;
	v3 =	vmax.f32 v4, v61  }
0x3d: {  	v1 =	vmax.f32 v1, v2;
	v63 =	vmax.f32 v3, v62  }
0x3e: {  	v5 =	vmax.f32 v1, v0;
	v4 =	vmax.f32 v63, v7  }
0x3f: {  	s11 =	sadd.s32 $0x1, s11  }
0x40: {  	[tilespmem:$0xC000] =	vst v5;
	p0 =	sne.s32 s11, s8  }
.Ltmp2:
0x41: {  	[tilespmem:$0xC080] =	vst v4;
	(pc) =	sbr.rel @p0 .LBB2_1-.Ltmp2, $4  }
0x42: {  	[hbm4b:s6+s3] =	stream.linear.scatter [tilespmem:s10], [sflag:$0x1], $0x100, $0x38;
	[tilespmem:$0xC100] =	vst v63  }
0x43: {  	_ =	swait.ge [sflag:s9], $0x100  }
0x44: {  	[sflag:s9] =	ssyncset.done $0x0  }
0x45: {  	[sflag:s9] =	ssyncadd.s32 $0xFFFFFF00  }
0x46: {  	_ =	sfence.sel $0x180000  }
0x47: {  	[bflag:$0x0] =	sbarrier.arrive $0xFFFF  }
0x48: {  	p0 =	sne.s32 s0, $0x0;
	_ =	strace $0x90000047  }
0x49: {  	s0 =	sadd.s32 @!p0 $0x100000, s2;
	[bflag:$0x2] =	sbarrier.arrive $0xFFFF  }
0x4a: {  	[sflag:s0] =	ssyncadd.tile.s32 @!p0 $0x1;
	_ =	shalt  }
.Lfunc_end2:
_tile_overlayer_lowered:
.L_overlay_start_2:
0x4b: {  	(tag) =	ssettag $0x2  }
0x4c: {  	s0 =	rddreg [dreg:$0x0];
	s2 =	stileid.u32  }
0x4d: {  	s1 =	rddreg [dreg:$0x1];
	p0 =	sne.s32 s2, $0x0  }
0x4e: {  	s3 =	rddreg [dreg:$0x2];
	[bflag:$0x3] =	sbarrier.arrive $0xFFFF;
	s2 =	simm.s32 @!p0 $0x1C01  }
0x4f: {  	[timem:s3], [sflag:s2] =	dma.local @!p0 [hbm:s0], s1  }
0x50: {  	s0 =	simm.s32 @!p0 $0x1  }
0x51: {  	_ =	swait.ge @!p0 [sflag:s0], s1  }
0x52: {  	s1 =	ssub.s32 @!p0 $0x0, s1;
	[sflag:s0] =	ssyncset.done @!p0 $0x0  }
0x53: {  	[sflag:s0] =	ssyncadd.s32 @!p0 s1  }
0x54: {  	[bflag:$0x3] =	sbarrier.arrive $0xFFFF  }
0x55: {  	_ =	shalt  }

</sc_bundles>
